<compile_context>
chip_gen: v7x
topology: tpu7x:2x2x1
jax: 0.10.2.dev20260603
libtpu: 0.0.44.dev20260713+nightly
codegen_flags: <defaults>
</compile_context>

<pallas_src>
import functools

import jax
import jax.numpy as jnp
from jax import lax
from jax.experimental import pallas as pl
from jax.experimental.pallas import tpu as pltpu
from jax.experimental.pallas import tpu_sc as plsc

SEQ = 200
D = 128
CH = 100
NW = 32
NBUF = 4
LANES = 16


def _body(x_hbm, tok_hbm, pos_hbm, out_hbm, pos_v,
          i0, i1, i2, i3, r0, r1, r2, r3,
          is0, is1, is2, is3, gs0, gs1, gs2, gs3, ss0, ss1, ss2, ss3):
    idx = [i0, i1, i2, i3]
    rows = [r0, r1, r2, r3]
    isem = [is0, is1, is2, is3]
    gsem = [gs0, gs1, gs2, gs3]
    ssem = [ss0, ss1, ss2, ss3]

    nchunk = x_hbm.shape[1]
    wid = lax.axis_index("s") * 2 + lax.axis_index("c")
    out_base = wid * (nchunk * SEQ)

    pltpu.sync_copy(pos_hbm, pos_v)

    def launch_idx(g, s):
        pltpu.async_copy(x_hbm.at[wid, g], idx[s], isem[s])

    def wait_idx(s):
        pltpu.make_async_copy(x_hbm.at[0, 0], idx[s], isem[s]).wait()

    def launch_gather(s):
        pltpu.async_copy(
            tok_hbm.at[idx[s].at[0]], rows[s].at[pl.ds(0, CH)], gsem[s])
        pltpu.async_copy(
            tok_hbm.at[idx[s].at[1]], rows[s].at[pl.ds(CH, CH)], gsem[s])

    def wait_gather(s):
        pltpu.make_async_copy(
            tok_hbm.at[idx[s].at[0]], rows[s].at[pl.ds(0, CH)],
            gsem[s]).wait()
        pltpu.make_async_copy(
            tok_hbm.at[idx[s].at[1]], rows[s].at[pl.ds(CH, CH)],
            gsem[s]).wait()

    def launch_store(g, s):
        pltpu.async_copy(
            rows[s], out_hbm.at[pl.ds(out_base + g * SEQ, SEQ)], ssem[s])

    def wait_store(s):
        pltpu.make_async_copy(
            rows[s], out_hbm.at[pl.ds(0, SEQ)], ssem[s]).wait()

    launch_idx(0, 0)
    launch_idx(1, 1)
    wait_idx(0)

    def grp_body(grp, _):
        g0 = grp * NBUF
        for b in range(NBUF):
            g = g0 + b
            s_next = (b + 1) % NBUF
            s_i = (b + 2) % NBUF

            @pl.when(g + 2 < nchunk)
            def _():
                launch_idx(g + 2, s_i)

            @pl.when(g + 1 < nchunk)
            def _():
                wait_idx(s_next)

                @pl.when(g >= NBUF - 1)
                def _():
                    wait_store(s_next)


            def row_body(r, _, b=b):
                for c in range(D // LANES):
                    sl = pl.ds(c * LANES, LANES)
                    plsc.addupdate(rows[b].at[r, sl], pos_v[r, sl])
                return 0

            launch_store(g, b)
        return 0

    lax.fori_loop(0, nchunk // NBUF, grp_body, 0)

    for s in range(NBUF):
        wait_store(s)


def kernel(x, token_table, pos_table):
    batch, seq = x.shape
    assert seq == SEQ
    ntok = batch * seq
    nchunk = ntok // (NW * SEQ)
    assert nchunk % NBUF == 0
    x_r = x.reshape(NW, nchunk, 2, CH).astype(jnp.int32)

    kern = functools.partial(
        pl.kernel,
        out_type=jax.ShapeDtypeStruct((ntok, D), jnp.float32),
        mesh=plsc.VectorSubcoreMesh(core_axis_name="c", subcore_axis_name="s"),
        scratch_types=(
            [pltpu.VMEM((SEQ, D), jnp.float32)]
            + [pltpu.VMEM((2, CH), jnp.int32)] * NBUF
            + [pltpu.VMEM((SEQ, D), jnp.float32)] * NBUF
            + [pltpu.SemaphoreType.DMA] * (3 * NBUF)
        ),
    )(_body)
    out = kern(x_r, token_table, pos_table)
    return out.reshape(batch, seq, D)

# --- scband reference (transcript-rebuilt; emitter-appended) ---
"""Pipeline reference for scband-embedding-2662879724389 (READ-ONLY COPY).

The authoritative reference and input builder live on the scoring server;
editing this copy changes nothing except your own understanding.
"""

import jax, jax.numpy as jnp
import numpy as np

SEQ_MAX_LEN = 200
VOCAB_SIZE = 100000
EMB_SIZE = 128
BATCH = 4096
SEQ_LEN = 200

def setup_inputs(seed: int = 0) -> dict:
    key = jax.random.key(seed)
    k1, k2, k3 = jax.random.split(key, 3)
    x = jax.random.randint(k1, (BATCH, SEQ_LEN), 0, VOCAB_SIZE, dtype=jnp.int64 if jax.config.jax_enable_x64 else jnp.int32)
    token_table = jax.random.normal(k2, (VOCAB_SIZE, EMB_SIZE), dtype=jnp.float32)
    pos_table = jax.random.normal(k3, (SEQ_MAX_LEN, EMB_SIZE), dtype=jnp.float32)
    return {"x": x, "token_table": token_table, "pos_table": pos_table}

def reference(x, token_table, pos_table):
    seq_len = x.shape[1]
    position = jnp.arange(0, seq_len)
    position = position.reshape(1, -1)
    position = jnp.broadcast_to(position, x.shape)
    token_emb = jnp.take(token_table, x, axis=0)
    pos_emb = jnp.take(pos_table, position, axis=0)
    emb = token_emb + pos_emb
    return emb

if __name__ == "__main__":
    import jax
    _d = setup_inputs()
    print(jax.jit(kernel)(*tuple(_d.values())))

</pallas_src>

<mosaic_0001>
#map = affine_map<(d0, d1) -> (0, 0, 0, 0)>
#map1 = affine_map<(d0, d1) -> (0, 0)>
module attributes {stable_mosaic.version = 14 : i64} {
  func.func @_body(%arg0: i32, %arg1: i32, %arg2: memref<32x128x2x100xi32, #tpu.memory_space<hbm>>, %arg3: memref<100000x128xf32, #tpu.memory_space<hbm>>, %arg4: memref<200x128xf32, #tpu.memory_space<hbm>>, %arg5: memref<819200x128xf32, #tpu.memory_space<hbm>>, %arg6: memref<200x128xf32, #tpu.memory_space<vmem>>, %arg7: memref<2x100xi32, #tpu.memory_space<vmem>>, %arg8: memref<2x100xi32, #tpu.memory_space<vmem>>, %arg9: memref<2x100xi32, #tpu.memory_space<vmem>>, %arg10: memref<2x100xi32, #tpu.memory_space<vmem>>, %arg11: memref<200x128xf32, #tpu.memory_space<vmem>>, %arg12: memref<200x128xf32, #tpu.memory_space<vmem>>, %arg13: memref<200x128xf32, #tpu.memory_space<vmem>>, %arg14: memref<200x128xf32, #tpu.memory_space<vmem>>, %arg15: memref<!tpu.dma_semaphore, #tpu.memory_space<semaphore_mem>>, %arg16: memref<!tpu.dma_semaphore, #tpu.memory_space<semaphore_mem>>, %arg17: memref<!tpu.dma_semaphore, #tpu.memory_space<semaphore_mem>>, %arg18: memref<!tpu.dma_semaphore, #tpu.memory_space<semaphore_mem>>, %arg19: memref<!tpu.dma_semaphore, #tpu.memory_space<semaphore_mem>>, %arg20: memref<!tpu.dma_semaphore, #tpu.memory_space<semaphore_mem>>, %arg21: memref<!tpu.dma_semaphore, #tpu.memory_space<semaphore_mem>>, %arg22: memref<!tpu.dma_semaphore, #tpu.memory_space<semaphore_mem>>, %arg23: memref<!tpu.dma_semaphore, #tpu.memory_space<semaphore_mem>>, %arg24: memref<!tpu.dma_semaphore, #tpu.memory_space<semaphore_mem>>, %arg25: memref<!tpu.dma_semaphore, #tpu.memory_space<semaphore_mem>>, %arg26: memref<!tpu.dma_semaphore, #tpu.memory_space<semaphore_mem>>) attributes {dimension_semantics = [#tpu.dimension_semantics<core_parallel>, #tpu.dimension_semantics<subcore_parallel>], iteration_bounds = array<i64: 2, 16>, scalar_prefetch = 0 : i64, scratch_operands = 21 : i64, tpu.core_type = #tpu.core_type<sc_vector_subcore>, window_params = [{transform_indices = #map}, {transform_indices = #map1}, {transform_indices = #map1}, {transform_indices = #map1}]} {
    %mul3A = arith.constant 2 : i32
    %mul3A_0 = arith.muli %arg1, %mul3A : i32
    %add3A = arith.addi %mul3A_0, %arg0 : i32
    %mul3A_1 = arith.constant 25600 : i32
    %mul3A_2 = arith.muli %add3A, %mul3A_1 : i32
    "tpu.region"() ({
      %run_scoped3A = tpu.sem_alloc : memref<!tpu.dma_semaphore, #tpu.memory_space<semaphore_mem>>
      tpu.enqueue_dma source(%arg4 : memref<200x128xf32, #tpu.memory_space<hbm>>) target(%arg6 : memref<200x128xf32, #tpu.memory_space<vmem>>) target_semaphore(%run_scoped3A : memref<!tpu.dma_semaphore, #tpu.memory_space<semaphore_mem>>)
      tpu.wait_dma2 semaphore(%run_scoped3A : memref<!tpu.dma_semaphore, #tpu.memory_space<semaphore_mem>>) src(%arg4 : memref<200x128xf32, #tpu.memory_space<hbm>>) dst(%arg6 : memref<200x128xf32, #tpu.memory_space<vmem>>)
      tpu.yield
    }) : () -> ()
    %dma_start3A = arith.constant 0 : i32
    %dma_start3A_3 = arith.constant 0 : i32
    %dma_start3A_4 = arith.constant 0 : i32
    %dma_start3A_5 = tpu.memref_slice %arg2[%add3A, %dma_start3A, %dma_start3A_3, %dma_start3A_4] : memref<32x128x2x100xi32, #tpu.memory_space<hbm>> -> memref<1x1x2x100xi32, #tpu.memory_space<hbm>>
    %dma_start3A_6 = tpu.memref_squeeze %dma_start3A_5 : memref<1x1x2x100xi32, #tpu.memory_space<hbm>> -> memref<2x100xi32, #tpu.memory_space<hbm>>
    %dma_start3A_7 = arith.constant 0 : i32
    %dma_start3A_8 = arith.constant 0 : i32
    %dma_start3A_9 = tpu.memref_slice %arg2[%add3A, %dma_start3A, %dma_start3A_7, %dma_start3A_8] : memref<32x128x2x100xi32, #tpu.memory_space<hbm>> -> memref<1x1x2x100xi32, #tpu.memory_space<hbm>>
    %dma_start3A_10 = tpu.memref_squeeze %dma_start3A_9 : memref<1x1x2x100xi32, #tpu.memory_space<hbm>> -> memref<2x100xi32, #tpu.memory_space<hbm>>
    tpu.enqueue_dma source(%dma_start3A_10 : memref<2x100xi32, #tpu.memory_space<hbm>>) target(%arg7 : memref<2x100xi32, #tpu.memory_space<vmem>>) target_semaphore(%arg15 : memref<!tpu.dma_semaphore, #tpu.memory_space<semaphore_mem>>)
    %dma_start3A_11 = arith.constant 1 : i32
    %dma_start3A_12 = arith.constant 0 : i32
    %dma_start3A_13 = arith.constant 0 : i32
    %dma_start3A_14 = tpu.memref_slice %arg2[%add3A, %dma_start3A_11, %dma_start3A_12, %dma_start3A_13] : memref<32x128x2x100xi32, #tpu.memory_space<hbm>> -> memref<1x1x2x100xi32, #tpu.memory_space<hbm>>
    %dma_start3A_15 = tpu.memref_squeeze %dma_start3A_14 : memref<1x1x2x100xi32, #tpu.memory_space<hbm>> -> memref<2x100xi32, #tpu.memory_space<hbm>>
    %dma_start3A_16 = arith.constant 0 : i32
    %dma_start3A_17 = arith.constant 0 : i32
    %dma_start3A_18 = tpu.memref_slice %arg2[%add3A, %dma_start3A_11, %dma_start3A_16, %dma_start3A_17] : memref<32x128x2x100xi32, #tpu.memory_space<hbm>> -> memref<1x1x2x100xi32, #tpu.memory_space<hbm>>
    %dma_start3A_19 = tpu.memref_squeeze %dma_start3A_18 : memref<1x1x2x100xi32, #tpu.memory_space<hbm>> -> memref<2x100xi32, #tpu.memory_space<hbm>>
    tpu.enqueue_dma source(%dma_start3A_19 : memref<2x100xi32, #tpu.memory_space<hbm>>) target(%arg8 : memref<2x100xi32, #tpu.memory_space<vmem>>) target_semaphore(%arg16 : memref<!tpu.dma_semaphore, #tpu.memory_space<semaphore_mem>>)
    %dma_wait3A = arith.constant 0 : i32
    %dma_wait3A_20 = arith.constant 0 : i32
    %dma_wait3A_21 = arith.constant 0 : i32
    %dma_wait3A_22 = arith.constant 0 : i32
    %dma_wait3A_23 = tpu.memref_slice %arg2[%dma_wait3A, %dma_wait3A_20, %dma_wait3A_21, %dma_wait3A_22] : memref<32x128x2x100xi32, #tpu.memory_space<hbm>> -> memref<1x1x2x100xi32, #tpu.memory_space<hbm>>
    %dma_wait3A_24 = tpu.memref_squeeze %dma_wait3A_23 : memref<1x1x2x100xi32, #tpu.memory_space<hbm>> -> memref<2x100xi32, #tpu.memory_space<hbm>>
    %dma_wait3A_25 = arith.constant 0 : i32
    %dma_wait3A_26 = arith.constant 0 : i32
    %dma_wait3A_27 = tpu.memref_slice %arg2[%dma_wait3A, %dma_wait3A_20, %dma_wait3A_25, %dma_wait3A_26] : memref<32x128x2x100xi32, #tpu.memory_space<hbm>> -> memref<1x1x2x100xi32, #tpu.memory_space<hbm>>
    %dma_wait3A_28 = tpu.memref_squeeze %dma_wait3A_27 : memref<1x1x2x100xi32, #tpu.memory_space<hbm>> -> memref<2x100xi32, #tpu.memory_space<hbm>>
    tpu.wait_dma2 semaphore(%arg15 : memref<!tpu.dma_semaphore, #tpu.memory_space<semaphore_mem>>) src(%dma_wait3A_28 : memref<2x100xi32, #tpu.memory_space<hbm>>) dst(%arg7 : memref<2x100xi32, #tpu.memory_space<vmem>>)
    %scan3A = arith.constant 0 : i32
    %scan3A_29 = arith.constant 0 : i32
    %scan3A_30 = arith.constant 32 : i32
    %scan3A_31 = arith.addi %scan3A_29, %scan3A_30 : i32
    %scan3A_32 = arith.constant 1 : i32
    %scan3A_33 = scf.for %scan3A_59 = %scan3A_29 to %scan3A_31 step %scan3A_32 iter_args(%scan3A_60 = %scan3A) -> (i32)  : i32 {
      %mul3A_61 = arith.constant 4 : i32
      %mul3A_62 = arith.muli %scan3A_59, %mul3A_61 : i32
      %add3A_63 = arith.constant 0 : i32
      %add3A_64 = arith.addi %mul3A_62, %add3A_63 : i32
      %add3A_65 = arith.constant 2 : i32
      %add3A_66 = arith.addi %add3A_64, %add3A_65 : i32
      %lt3A = arith.constant 128 : i32
      %lt3A_67 = arith.cmpi slt, %add3A_66, %lt3A : i32
      %convert_element_type3A = arith.extui %lt3A_67 : i1 to i32
      %cond3A = arith.constant 0 : i32
      %cond3A_68 = arith.cmpi ne, %convert_element_type3A, %cond3A : i32
      scf.if %cond3A_68 {
        %add3A_153 = arith.constant 2 : i32
        %add3A_154 = arith.addi %add3A_64, %add3A_153 : i32
        %dma_start3A_155 = arith.constant 0 : i32
        %dma_start3A_156 = arith.constant 0 : i32
        %dma_start3A_157 = tpu.memref_slice %arg2[%add3A, %add3A_154, %dma_start3A_155, %dma_start3A_156] : memref<32x128x2x100xi32, #tpu.memory_space<hbm>> -> memref<1x1x2x100xi32, #tpu.memory_space<hbm>>
        %dma_start3A_158 = tpu.memref_squeeze %dma_start3A_157 : memref<1x1x2x100xi32, #tpu.memory_space<hbm>> -> memref<2x100xi32, #tpu.memory_space<hbm>>
        %dma_start3A_159 = arith.constant 0 : i32
        %dma_start3A_160 = arith.constant 0 : i32
        %dma_start3A_161 = tpu.memref_slice %arg2[%add3A, %add3A_154, %dma_start3A_159, %dma_start3A_160] : memref<32x128x2x100xi32, #tpu.memory_space<hbm>> -> memref<1x1x2x100xi32, #tpu.memory_space<hbm>>
        %dma_start3A_162 = tpu.memref_squeeze %dma_start3A_161 : memref<1x1x2x100xi32, #tpu.memory_space<hbm>> -> memref<2x100xi32, #tpu.memory_space<hbm>>
        tpu.enqueue_dma source(%dma_start3A_162 : memref<2x100xi32, #tpu.memory_space<hbm>>) target(%arg9 : memref<2x100xi32, #tpu.memory_space<vmem>>) target_semaphore(%arg17 : memref<!tpu.dma_semaphore, #tpu.memory_space<semaphore_mem>>)
      } else {
      }
      %add3A_69 = arith.constant 1 : i32
      %add3A_70 = arith.addi %add3A_64, %add3A_69 : i32
      %lt3A_71 = arith.constant 128 : i32
      %lt3A_72 = arith.cmpi slt, %add3A_70, %lt3A_71 : i32
      %convert_element_type3A_73 = arith.extui %lt3A_72 : i1 to i32
      %cond3A_74 = arith.constant 0 : i32
      %cond3A_75 = arith.cmpi ne, %convert_element_type3A_73, %cond3A_74 : i32
      scf.if %cond3A_75 {
        %dma_wait3A_153 = arith.constant 0 : i32
        %dma_wait3A_154 = arith.constant 0 : i32
        %dma_wait3A_155 = arith.constant 0 : i32
        %dma_wait3A_156 = arith.constant 0 : i32
        %dma_wait3A_157 = tpu.memref_slice %arg2[%dma_wait3A_153, %dma_wait3A_154, %dma_wait3A_155, %dma_wait3A_156] : memref<32x128x2x100xi32, #tpu.memory_space<hbm>> -> memref<1x1x2x100xi32, #tpu.memory_space<hbm>>
        %dma_wait3A_158 = tpu.memref_squeeze %dma_wait3A_157 : memref<1x1x2x100xi32, #tpu.memory_space<hbm>> -> memref<2x100xi32, #tpu.memory_space<hbm>>
        %dma_wait3A_159 = arith.constant 0 : i32
        %dma_wait3A_160 = arith.constant 0 : i32
        %dma_wait3A_161 = tpu.memref_slice %arg2[%dma_wait3A_153, %dma_wait3A_154, %dma_wait3A_159, %dma_wait3A_160] : memref<32x128x2x100xi32, #tpu.memory_space<hbm>> -> memref<1x1x2x100xi32, #tpu.memory_space<hbm>>
        %dma_wait3A_162 = tpu.memref_squeeze %dma_wait3A_161 : memref<1x1x2x100xi32, #tpu.memory_space<hbm>> -> memref<2x100xi32, #tpu.memory_space<hbm>>
        tpu.wait_dma2 semaphore(%arg16 : memref<!tpu.dma_semaphore, #tpu.memory_space<semaphore_mem>>) src(%dma_wait3A_162 : memref<2x100xi32, #tpu.memory_space<hbm>>) dst(%arg8 : memref<2x100xi32, #tpu.memory_space<vmem>>)
        %ge3A = arith.constant 3 : i32
        %ge3A_163 = arith.cmpi sge, %add3A_64, %ge3A : i32
        %convert_element_type3A_164 = arith.extui %ge3A_163 : i1 to i32
        %cond3A_165 = arith.constant 0 : i32
        %cond3A_166 = arith.cmpi ne, %convert_element_type3A_164, %cond3A_165 : i32
        scf.if %cond3A_166 {
          %dma_wait3A_167 = arith.constant 0 : i32
          %dma_wait3A_168 = arith.constant 0 : i32
          %dma_wait3A_169 = tpu.memref_slice %arg5[%dma_wait3A_167, %dma_wait3A_168] : memref<819200x128xf32, #tpu.memory_space<hbm>> -> memref<200x128xf32, #tpu.memory_space<hbm>>
          %dma_wait3A_170 = arith.constant 0 : i32
          %dma_wait3A_171 = arith.constant 0 : i32
          %dma_wait3A_172 = tpu.memref_slice %arg5[%dma_wait3A_170, %dma_wait3A_171] : memref<819200x128xf32, #tpu.memory_space<hbm>> -> memref<200x128xf32, #tpu.memory_space<hbm>>
          tpu.wait_dma2 semaphore(%arg24 : memref<!tpu.dma_semaphore, #tpu.memory_space<semaphore_mem>>) src(%arg12 : memref<200x128xf32, #tpu.memory_space<vmem>>) dst(%dma_wait3A_172 : memref<200x128xf32, #tpu.memory_space<hbm>>)
        } else {
        }
      } else {
      }
      %mul3A_76 = arith.constant 200 : i32
      %mul3A_77 = arith.muli %add3A_64, %mul3A_76 : i32
      %add3A_78 = arith.addi %mul3A_2, %mul3A_77 : i32
      %dma_start3A_79 = arith.constant 0 : i32
      %dma_start3A_80 = tpu.memref_slice %arg5[%add3A_78, %dma_start3A_79] : memref<819200x128xf32, #tpu.memory_space<hbm>> -> memref<200x128xf32, #tpu.memory_space<hbm>>
      %dma_start3A_81 = arith.constant 0 : i32
      %dma_start3A_82 = tpu.memref_slice %arg5[%add3A_78, %dma_start3A_81] : memref<819200x128xf32, #tpu.memory_space<hbm>> -> memref<200x128xf32, #tpu.memory_space<hbm>>
      tpu.enqueue_dma source(%arg11 : memref<200x128xf32, #tpu.memory_space<vmem>>) target(%dma_start3A_82 : memref<200x128xf32, #tpu.memory_space<hbm>>) target_semaphore(%arg23 : memref<!tpu.dma_semaphore, #tpu.memory_space<semaphore_mem>>)
      %add3A_83 = arith.constant 1 : i32
      %add3A_84 = arith.addi %mul3A_62, %add3A_83 : i32
      %add3A_85 = arith.constant 2 : i32
      %add3A_86 = arith.addi %add3A_84, %add3A_85 : i32
      %lt3A_87 = arith.constant 128 : i32
      %lt3A_88 = arith.cmpi slt, %add3A_86, %lt3A_87 : i32
      %convert_element_type3A_89 = arith.extui %lt3A_88 : i1 to i32
      %cond3A_90 = arith.constant 0 : i32
      %cond3A_91 = arith.cmpi ne, %convert_element_type3A_89, %cond3A_90 : i32
      scf.if %cond3A_91 {
        %add3A_153 = arith.constant 2 : i32
        %add3A_154 = arith.addi %add3A_84, %add3A_153 : i32
        %dma_start3A_155 = arith.constant 0 : i32
        %dma_start3A_156 = arith.constant 0 : i32
        %dma_start3A_157 = tpu.memref_slice %arg2[%add3A, %add3A_154, %dma_start3A_155, %dma_start3A_156] : memref<32x128x2x100xi32, #tpu.memory_space<hbm>> -> memref<1x1x2x100xi32, #tpu.memory_space<hbm>>
        %dma_start3A_158 = tpu.memref_squeeze %dma_start3A_157 : memref<1x1x2x100xi32, #tpu.memory_space<hbm>> -> memref<2x100xi32, #tpu.memory_space<hbm>>
        %dma_start3A_159 = arith.constant 0 : i32
        %dma_start3A_160 = arith.constant 0 : i32
        %dma_start3A_161 = tpu.memref_slice %arg2[%add3A, %add3A_154, %dma_start3A_159, %dma_start3A_160] : memref<32x128x2x100xi32, #tpu.memory_space<hbm>> -> memref<1x1x2x100xi32, #tpu.memory_space<hbm>>
        %dma_start3A_162 = tpu.memref_squeeze %dma_start3A_161 : memref<1x1x2x100xi32, #tpu.memory_space<hbm>> -> memref<2x100xi32, #tpu.memory_space<hbm>>
        tpu.enqueue_dma source(%dma_start3A_162 : memref<2x100xi32, #tpu.memory_space<hbm>>) target(%arg10 : memref<2x100xi32, #tpu.memory_space<vmem>>) target_semaphore(%arg18 : memref<!tpu.dma_semaphore, #tpu.memory_space<semaphore_mem>>)
      } else {
      }
      %add3A_92 = arith.constant 1 : i32
      %add3A_93 = arith.addi %add3A_84, %add3A_92 : i32
      %lt3A_94 = arith.constant 128 : i32
      %lt3A_95 = arith.cmpi slt, %add3A_93, %lt3A_94 : i32
      %convert_element_type3A_96 = arith.extui %lt3A_95 : i1 to i32
      %cond3A_97 = arith.constant 0 : i32
      %cond3A_98 = arith.cmpi ne, %convert_element_type3A_96, %cond3A_97 : i32
      scf.if %cond3A_98 {
        %dma_wait3A_153 = arith.constant 0 : i32
        %dma_wait3A_154 = arith.constant 0 : i32
        %dma_wait3A_155 = arith.constant 0 : i32
        %dma_wait3A_156 = arith.constant 0 : i32
        %dma_wait3A_157 = tpu.memref_slice %arg2[%dma_wait3A_153, %dma_wait3A_154, %dma_wait3A_155, %dma_wait3A_156] : memref<32x128x2x100xi32, #tpu.memory_space<hbm>> -> memref<1x1x2x100xi32, #tpu.memory_space<hbm>>
        %dma_wait3A_158 = tpu.memref_squeeze %dma_wait3A_157 : memref<1x1x2x100xi32, #tpu.memory_space<hbm>> -> memref<2x100xi32, #tpu.memory_space<hbm>>
        %dma_wait3A_159 = arith.constant 0 : i32
        %dma_wait3A_160 = arith.constant 0 : i32
        %dma_wait3A_161 = tpu.memref_slice %arg2[%dma_wait3A_153, %dma_wait3A_154, %dma_wait3A_159, %dma_wait3A_160] : memref<32x128x2x100xi32, #tpu.memory_space<hbm>> -> memref<1x1x2x100xi32, #tpu.memory_space<hbm>>
        %dma_wait3A_162 = tpu.memref_squeeze %dma_wait3A_161 : memref<1x1x2x100xi32, #tpu.memory_space<hbm>> -> memref<2x100xi32, #tpu.memory_space<hbm>>
        tpu.wait_dma2 semaphore(%arg17 : memref<!tpu.dma_semaphore, #tpu.memory_space<semaphore_mem>>) src(%dma_wait3A_162 : memref<2x100xi32, #tpu.memory_space<hbm>>) dst(%arg9 : memref<2x100xi32, #tpu.memory_space<vmem>>)
        %ge3A = arith.constant 3 : i32
        %ge3A_163 = arith.cmpi sge, %add3A_84, %ge3A : i32
        %convert_element_type3A_164 = arith.extui %ge3A_163 : i1 to i32
        %cond3A_165 = arith.constant 0 : i32
        %cond3A_166 = arith.cmpi ne, %convert_element_type3A_164, %cond3A_165 : i32
        scf.if %cond3A_166 {
          %dma_wait3A_167 = arith.constant 0 : i32
          %dma_wait3A_168 = arith.constant 0 : i32
          %dma_wait3A_169 = tpu.memref_slice %arg5[%dma_wait3A_167, %dma_wait3A_168] : memref<819200x128xf32, #tpu.memory_space<hbm>> -> memref<200x128xf32, #tpu.memory_space<hbm>>
          %dma_wait3A_170 = arith.constant 0 : i32
          %dma_wait3A_171 = arith.constant 0 : i32
          %dma_wait3A_172 = tpu.memref_slice %arg5[%dma_wait3A_170, %dma_wait3A_171] : memref<819200x128xf32, #tpu.memory_space<hbm>> -> memref<200x128xf32, #tpu.memory_space<hbm>>
          tpu.wait_dma2 semaphore(%arg25 : memref<!tpu.dma_semaphore, #tpu.memory_space<semaphore_mem>>) src(%arg13 : memref<200x128xf32, #tpu.memory_space<vmem>>) dst(%dma_wait3A_172 : memref<200x128xf32, #tpu.memory_space<hbm>>)
        } else {
        }
      } else {
      }
      %mul3A_99 = arith.constant 200 : i32
      %mul3A_100 = arith.muli %add3A_84, %mul3A_99 : i32
      %add3A_101 = arith.addi %mul3A_2, %mul3A_100 : i32
      %dma_start3A_102 = arith.constant 0 : i32
      %dma_start3A_103 = tpu.memref_slice %arg5[%add3A_101, %dma_start3A_102] : memref<819200x128xf32, #tpu.memory_space<hbm>> -> memref<200x128xf32, #tpu.memory_space<hbm>>
      %dma_start3A_104 = arith.constant 0 : i32
      %dma_start3A_105 = tpu.memref_slice %arg5[%add3A_101, %dma_start3A_104] : memref<819200x128xf32, #tpu.memory_space<hbm>> -> memref<200x128xf32, #tpu.memory_space<hbm>>
      tpu.enqueue_dma source(%arg12 : memref<200x128xf32, #tpu.memory_space<vmem>>) target(%dma_start3A_105 : memref<200x128xf32, #tpu.memory_space<hbm>>) target_semaphore(%arg24 : memref<!tpu.dma_semaphore, #tpu.memory_space<semaphore_mem>>)
      %add3A_106 = arith.constant 2 : i32
      %add3A_107 = arith.addi %mul3A_62, %add3A_106 : i32
      %add3A_108 = arith.constant 2 : i32
      %add3A_109 = arith.addi %add3A_107, %add3A_108 : i32
      %lt3A_110 = arith.constant 128 : i32
      %lt3A_111 = arith.cmpi slt, %add3A_109, %lt3A_110 : i32
      %convert_element_type3A_112 = arith.extui %lt3A_111 : i1 to i32
      %cond3A_113 = arith.constant 0 : i32
      %cond3A_114 = arith.cmpi ne, %convert_element_type3A_112, %cond3A_113 : i32
      scf.if %cond3A_114 {
        %add3A_153 = arith.constant 2 : i32
        %add3A_154 = arith.addi %add3A_107, %add3A_153 : i32
        %dma_start3A_155 = arith.constant 0 : i32
        %dma_start3A_156 = arith.constant 0 : i32
        %dma_start3A_157 = tpu.memref_slice %arg2[%add3A, %add3A_154, %dma_start3A_155, %dma_start3A_156] : memref<32x128x2x100xi32, #tpu.memory_space<hbm>> -> memref<1x1x2x100xi32, #tpu.memory_space<hbm>>
        %dma_start3A_158 = tpu.memref_squeeze %dma_start3A_157 : memref<1x1x2x100xi32, #tpu.memory_space<hbm>> -> memref<2x100xi32, #tpu.memory_space<hbm>>
        %dma_start3A_159 = arith.constant 0 : i32
        %dma_start3A_160 = arith.constant 0 : i32
        %dma_start3A_161 = tpu.memref_slice %arg2[%add3A, %add3A_154, %dma_start3A_159, %dma_start3A_160] : memref<32x128x2x100xi32, #tpu.memory_space<hbm>> -> memref<1x1x2x100xi32, #tpu.memory_space<hbm>>
        %dma_start3A_162 = tpu.memref_squeeze %dma_start3A_161 : memref<1x1x2x100xi32, #tpu.memory_space<hbm>> -> memref<2x100xi32, #tpu.memory_space<hbm>>
        tpu.enqueue_dma source(%dma_start3A_162 : memref<2x100xi32, #tpu.memory_space<hbm>>) target(%arg7 : memref<2x100xi32, #tpu.memory_space<vmem>>) target_semaphore(%arg15 : memref<!tpu.dma_semaphore, #tpu.memory_space<semaphore_mem>>)
      } else {
      }
      %add3A_115 = arith.constant 1 : i32
      %add3A_116 = arith.addi %add3A_107, %add3A_115 : i32
      %lt3A_117 = arith.constant 128 : i32
      %lt3A_118 = arith.cmpi slt, %add3A_116, %lt3A_117 : i32
      %convert_element_type3A_119 = arith.extui %lt3A_118 : i1 to i32
      %cond3A_120 = arith.constant 0 : i32
      %cond3A_121 = arith.cmpi ne, %convert_element_type3A_119, %cond3A_120 : i32
      scf.if %cond3A_121 {
        %dma_wait3A_153 = arith.constant 0 : i32
        %dma_wait3A_154 = arith.constant 0 : i32
        %dma_wait3A_155 = arith.constant 0 : i32
        %dma_wait3A_156 = arith.constant 0 : i32
        %dma_wait3A_157 = tpu.memref_slice %arg2[%dma_wait3A_153, %dma_wait3A_154, %dma_wait3A_155, %dma_wait3A_156] : memref<32x128x2x100xi32, #tpu.memory_space<hbm>> -> memref<1x1x2x100xi32, #tpu.memory_space<hbm>>
        %dma_wait3A_158 = tpu.memref_squeeze %dma_wait3A_157 : memref<1x1x2x100xi32, #tpu.memory_space<hbm>> -> memref<2x100xi32, #tpu.memory_space<hbm>>
        %dma_wait3A_159 = arith.constant 0 : i32
        %dma_wait3A_160 = arith.constant 0 : i32
        %dma_wait3A_161 = tpu.memref_slice %arg2[%dma_wait3A_153, %dma_wait3A_154, %dma_wait3A_159, %dma_wait3A_160] : memref<32x128x2x100xi32, #tpu.memory_space<hbm>> -> memref<1x1x2x100xi32, #tpu.memory_space<hbm>>
        %dma_wait3A_162 = tpu.memref_squeeze %dma_wait3A_161 : memref<1x1x2x100xi32, #tpu.memory_space<hbm>> -> memref<2x100xi32, #tpu.memory_space<hbm>>
        tpu.wait_dma2 semaphore(%arg18 : memref<!tpu.dma_semaphore, #tpu.memory_space<semaphore_mem>>) src(%dma_wait3A_162 : memref<2x100xi32, #tpu.memory_space<hbm>>) dst(%arg10 : memref<2x100xi32, #tpu.memory_space<vmem>>)
        %ge3A = arith.constant 3 : i32
        %ge3A_163 = arith.cmpi sge, %add3A_107, %ge3A : i32
        %convert_element_type3A_164 = arith.extui %ge3A_163 : i1 to i32
        %cond3A_165 = arith.constant 0 : i32
        %cond3A_166 = arith.cmpi ne, %convert_element_type3A_164, %cond3A_165 : i32
        scf.if %cond3A_166 {
          %dma_wait3A_167 = arith.constant 0 : i32
          %dma_wait3A_168 = arith.constant 0 : i32
          %dma_wait3A_169 = tpu.memref_slice %arg5[%dma_wait3A_167, %dma_wait3A_168] : memref<819200x128xf32, #tpu.memory_space<hbm>> -> memref<200x128xf32, #tpu.memory_space<hbm>>
          %dma_wait3A_170 = arith.constant 0 : i32
          %dma_wait3A_171 = arith.constant 0 : i32
          %dma_wait3A_172 = tpu.memref_slice %arg5[%dma_wait3A_170, %dma_wait3A_171] : memref<819200x128xf32, #tpu.memory_space<hbm>> -> memref<200x128xf32, #tpu.memory_space<hbm>>
          tpu.wait_dma2 semaphore(%arg26 : memref<!tpu.dma_semaphore, #tpu.memory_space<semaphore_mem>>) src(%arg14 : memref<200x128xf32, #tpu.memory_space<vmem>>) dst(%dma_wait3A_172 : memref<200x128xf32, #tpu.memory_space<hbm>>)
        } else {
        }
      } else {
      }
      %mul3A_122 = arith.constant 200 : i32
      %mul3A_123 = arith.muli %add3A_107, %mul3A_122 : i32
      %add3A_124 = arith.addi %mul3A_2, %mul3A_123 : i32
      %dma_start3A_125 = arith.constant 0 : i32
      %dma_start3A_126 = tpu.memref_slice %arg5[%add3A_124, %dma_start3A_125] : memref<819200x128xf32, #tpu.memory_space<hbm>> -> memref<200x128xf32, #tpu.memory_space<hbm>>
      %dma_start3A_127 = arith.constant 0 : i32
      %dma_start3A_128 = tpu.memref_slice %arg5[%add3A_124, %dma_start3A_127] : memref<819200x128xf32, #tpu.memory_space<hbm>> -> memref<200x128xf32, #tpu.memory_space<hbm>>
      tpu.enqueue_dma source(%arg13 : memref<200x128xf32, #tpu.memory_space<vmem>>) target(%dma_start3A_128 : memref<200x128xf32, #tpu.memory_space<hbm>>) target_semaphore(%arg25 : memref<!tpu.dma_semaphore, #tpu.memory_space<semaphore_mem>>)
      %add3A_129 = arith.constant 3 : i32
      %add3A_130 = arith.addi %mul3A_62, %add3A_129 : i32
      %add3A_131 = arith.constant 2 : i32
      %add3A_132 = arith.addi %add3A_130, %add3A_131 : i32
      %lt3A_133 = arith.constant 128 : i32
      %lt3A_134 = arith.cmpi slt, %add3A_132, %lt3A_133 : i32
      %convert_element_type3A_135 = arith.extui %lt3A_134 : i1 to i32
      %cond3A_136 = arith.constant 0 : i32
      %cond3A_137 = arith.cmpi ne, %convert_element_type3A_135, %cond3A_136 : i32
      scf.if %cond3A_137 {
        %add3A_153 = arith.constant 2 : i32
        %add3A_154 = arith.addi %add3A_130, %add3A_153 : i32
        %dma_start3A_155 = arith.constant 0 : i32
        %dma_start3A_156 = arith.constant 0 : i32
        %dma_start3A_157 = tpu.memref_slice %arg2[%add3A, %add3A_154, %dma_start3A_155, %dma_start3A_156] : memref<32x128x2x100xi32, #tpu.memory_space<hbm>> -> memref<1x1x2x100xi32, #tpu.memory_space<hbm>>
        %dma_start3A_158 = tpu.memref_squeeze %dma_start3A_157 : memref<1x1x2x100xi32, #tpu.memory_space<hbm>> -> memref<2x100xi32, #tpu.memory_space<hbm>>
        %dma_start3A_159 = arith.constant 0 : i32
        %dma_start3A_160 = arith.constant 0 : i32
        %dma_start3A_161 = tpu.memref_slice %arg2[%add3A, %add3A_154, %dma_start3A_159, %dma_start3A_160] : memref<32x128x2x100xi32, #tpu.memory_space<hbm>> -> memref<1x1x2x100xi32, #tpu.memory_space<hbm>>
        %dma_start3A_162 = tpu.memref_squeeze %dma_start3A_161 : memref<1x1x2x100xi32, #tpu.memory_space<hbm>> -> memref<2x100xi32, #tpu.memory_space<hbm>>
        tpu.enqueue_dma source(%dma_start3A_162 : memref<2x100xi32, #tpu.memory_space<hbm>>) target(%arg8 : memref<2x100xi32, #tpu.memory_space<vmem>>) target_semaphore(%arg16 : memref<!tpu.dma_semaphore, #tpu.memory_space<semaphore_mem>>)
      } else {
      }
      %add3A_138 = arith.constant 1 : i32
      %add3A_139 = arith.addi %add3A_130, %add3A_138 : i32
      %lt3A_140 = arith.constant 128 : i32
      %lt3A_141 = arith.cmpi slt, %add3A_139, %lt3A_140 : i32
      %convert_element_type3A_142 = arith.extui %lt3A_141 : i1 to i32
      %cond3A_143 = arith.constant 0 : i32
      %cond3A_144 = arith.cmpi ne, %convert_element_type3A_142, %cond3A_143 : i32
      scf.if %cond3A_144 {
        %dma_wait3A_153 = arith.constant 0 : i32
        %dma_wait3A_154 = arith.constant 0 : i32
        %dma_wait3A_155 = arith.constant 0 : i32
        %dma_wait3A_156 = arith.constant 0 : i32
        %dma_wait3A_157 = tpu.memref_slice %arg2[%dma_wait3A_153, %dma_wait3A_154, %dma_wait3A_155, %dma_wait3A_156] : memref<32x128x2x100xi32, #tpu.memory_space<hbm>> -> memref<1x1x2x100xi32, #tpu.memory_space<hbm>>
        %dma_wait3A_158 = tpu.memref_squeeze %dma_wait3A_157 : memref<1x1x2x100xi32, #tpu.memory_space<hbm>> -> memref<2x100xi32, #tpu.memory_space<hbm>>
        %dma_wait3A_159 = arith.constant 0 : i32
        %dma_wait3A_160 = arith.constant 0 : i32
        %dma_wait3A_161 = tpu.memref_slice %arg2[%dma_wait3A_153, %dma_wait3A_154, %dma_wait3A_159, %dma_wait3A_160] : memref<32x128x2x100xi32, #tpu.memory_space<hbm>> -> memref<1x1x2x100xi32, #tpu.memory_space<hbm>>
        %dma_wait3A_162 = tpu.memref_squeeze %dma_wait3A_161 : memref<1x1x2x100xi32, #tpu.memory_space<hbm>> -> memref<2x100xi32, #tpu.memory_space<hbm>>
        tpu.wait_dma2 semaphore(%arg15 : memref<!tpu.dma_semaphore, #tpu.memory_space<semaphore_mem>>) src(%dma_wait3A_162 : memref<2x100xi32, #tpu.memory_space<hbm>>) dst(%arg7 : memref<2x100xi32, #tpu.memory_space<vmem>>)
        %ge3A = arith.constant 3 : i32
        %ge3A_163 = arith.cmpi sge, %add3A_130, %ge3A : i32
        %convert_element_type3A_164 = arith.extui %ge3A_163 : i1 to i32
        %cond3A_165 = arith.constant 0 : i32
        %cond3A_166 = arith.cmpi ne, %convert_element_type3A_164, %cond3A_165 : i32
        scf.if %cond3A_166 {
          %dma_wait3A_167 = arith.constant 0 : i32
          %dma_wait3A_168 = arith.constant 0 : i32
          %dma_wait3A_169 = tpu.memref_slice %arg5[%dma_wait3A_167, %dma_wait3A_168] : memref<819200x128xf32, #tpu.memory_space<hbm>> -> memref<200x128xf32, #tpu.memory_space<hbm>>
          %dma_wait3A_170 = arith.constant 0 : i32
          %dma_wait3A_171 = arith.constant 0 : i32
          %dma_wait3A_172 = tpu.memref_slice %arg5[%dma_wait3A_170, %dma_wait3A_171] : memref<819200x128xf32, #tpu.memory_space<hbm>> -> memref<200x128xf32, #tpu.memory_space<hbm>>
          tpu.wait_dma2 semaphore(%arg23 : memref<!tpu.dma_semaphore, #tpu.memory_space<semaphore_mem>>) src(%arg11 : memref<200x128xf32, #tpu.memory_space<vmem>>) dst(%dma_wait3A_172 : memref<200x128xf32, #tpu.memory_space<hbm>>)
        } else {
        }
      } else {
      }
      %mul3A_145 = arith.constant 200 : i32
      %mul3A_146 = arith.muli %add3A_130, %mul3A_145 : i32
      %add3A_147 = arith.addi %mul3A_2, %mul3A_146 : i32
      %dma_start3A_148 = arith.constant 0 : i32
      %dma_start3A_149 = tpu.memref_slice %arg5[%add3A_147, %dma_start3A_148] : memref<819200x128xf32, #tpu.memory_space<hbm>> -> memref<200x128xf32, #tpu.memory_space<hbm>>
      %dma_start3A_150 = arith.constant 0 : i32
      %dma_start3A_151 = tpu.memref_slice %arg5[%add3A_147, %dma_start3A_150] : memref<819200x128xf32, #tpu.memory_space<hbm>> -> memref<200x128xf32, #tpu.memory_space<hbm>>
      tpu.enqueue_dma source(%arg14 : memref<200x128xf32, #tpu.memory_space<vmem>>) target(%dma_start3A_151 : memref<200x128xf32, #tpu.memory_space<hbm>>) target_semaphore(%arg26 : memref<!tpu.dma_semaphore, #tpu.memory_space<semaphore_mem>>)
      %scan3A_152 = arith.constant 0 : i32
      scf.yield %scan3A_152 : i32
    }
    %scan3A_34 = arith.constant 32 : i32
    %dma_wait3A_35 = arith.constant 0 : i32
    %dma_wait3A_36 = arith.constant 0 : i32
    %dma_wait3A_37 = tpu.memref_slice %arg5[%dma_wait3A_35, %dma_wait3A_36] : memref<819200x128xf32, #tpu.memory_space<hbm>> -> memref<200x128xf32, #tpu.memory_space<hbm>>
    %dma_wait3A_38 = arith.constant 0 : i32
    %dma_wait3A_39 = arith.constant 0 : i32
    %dma_wait3A_40 = tpu.memref_slice %arg5[%dma_wait3A_38, %dma_wait3A_39] : memref<819200x128xf32, #tpu.memory_space<hbm>> -> memref<200x128xf32, #tpu.memory_space<hbm>>
    tpu.wait_dma2 semaphore(%arg23 : memref<!tpu.dma_semaphore, #tpu.memory_space<semaphore_mem>>) src(%arg11 : memref<200x128xf32, #tpu.memory_space<vmem>>) dst(%dma_wait3A_40 : memref<200x128xf32, #tpu.memory_space<hbm>>)
    %dma_wait3A_41 = arith.constant 0 : i32
    %dma_wait3A_42 = arith.constant 0 : i32
    %dma_wait3A_43 = tpu.memref_slice %arg5[%dma_wait3A_41, %dma_wait3A_42] : memref<819200x128xf32, #tpu.memory_space<hbm>> -> memref<200x128xf32, #tpu.memory_space<hbm>>
    %dma_wait3A_44 = arith.constant 0 : i32
    %dma_wait3A_45 = arith.constant 0 : i32
    %dma_wait3A_46 = tpu.memref_slice %arg5[%dma_wait3A_44, %dma_wait3A_45] : memref<819200x128xf32, #tpu.memory_space<hbm>> -> memref<200x128xf32, #tpu.memory_space<hbm>>
    tpu.wait_dma2 semaphore(%arg24 : memref<!tpu.dma_semaphore, #tpu.memory_space<semaphore_mem>>) src(%arg12 : memref<200x128xf32, #tpu.memory_space<vmem>>) dst(%dma_wait3A_46 : memref<200x128xf32, #tpu.memory_space<hbm>>)
    %dma_wait3A_47 = arith.constant 0 : i32
    %dma_wait3A_48 = arith.constant 0 : i32
    %dma_wait3A_49 = tpu.memref_slice %arg5[%dma_wait3A_47, %dma_wait3A_48] : memref<819200x128xf32, #tpu.memory_space<hbm>> -> memref<200x128xf32, #tpu.memory_space<hbm>>
    %dma_wait3A_50 = arith.constant 0 : i32
    %dma_wait3A_51 = arith.constant 0 : i32
    %dma_wait3A_52 = tpu.memref_slice %arg5[%dma_wait3A_50, %dma_wait3A_51] : memref<819200x128xf32, #tpu.memory_space<hbm>> -> memref<200x128xf32, #tpu.memory_space<hbm>>
    tpu.wait_dma2 semaphore(%arg25 : memref<!tpu.dma_semaphore, #tpu.memory_space<semaphore_mem>>) src(%arg13 : memref<200x128xf32, #tpu.memory_space<vmem>>) dst(%dma_wait3A_52 : memref<200x128xf32, #tpu.memory_space<hbm>>)
    %dma_wait3A_53 = arith.constant 0 : i32
    %dma_wait3A_54 = arith.constant 0 : i32
    %dma_wait3A_55 = tpu.memref_slice %arg5[%dma_wait3A_53, %dma_wait3A_54] : memref<819200x128xf32, #tpu.memory_space<hbm>> -> memref<200x128xf32, #tpu.memory_space<hbm>>
    %dma_wait3A_56 = arith.constant 0 : i32
    %dma_wait3A_57 = arith.constant 0 : i32
    %dma_wait3A_58 = tpu.memref_slice %arg5[%dma_wait3A_56, %dma_wait3A_57] : memref<819200x128xf32, #tpu.memory_space<hbm>> -> memref<200x128xf32, #tpu.memory_space<hbm>>
    tpu.wait_dma2 semaphore(%arg26 : memref<!tpu.dma_semaphore, #tpu.memory_space<semaphore_mem>>) src(%arg14 : memref<200x128xf32, #tpu.memory_space<vmem>>) dst(%dma_wait3A_58 : memref<200x128xf32, #tpu.memory_space<hbm>>)
    return
  }
}

</mosaic_0001>

<sc_bundles>
// kernel: kernel.3.cloned.1.call-start
scs
__scs_entry_jumppad:
0x0: {  	(pc) =	sbr.rel $0x88, $3  }
0x1: {  	(tag) =	ssettag $0x0;
	lr =	simm.s32 $0x1  }
0x2: {  	[smem:$0x3F9E] =	sst lr;
	_ =	strace $0xD0000000  }
0x3: {  	_ = 	snop  }
0x4: {  	_ = 	snop  }
0x5: {  	_ = 	snop  }
0x6: {  	_ = 	snop  }
0x7: {  	_ = 	snop  }
__scs_overlays_trampoline_lowered:
0x8: {  	[smem:$0x3FAD] =	sst s0  }
0x9: {  	[smem:$0x3FAE] =	sst s1  }
0xa: {  	[smem:$0x3FAF] =	sst s2  }
0xb: {  	[smem:$0x3FB0] =	sst s3  }
0xc: {  	[smem:$0x3FB1] =	sst s4  }
0xd: {  	[smem:$0x3FB2] =	sst s5  }
0xe: {  	[smem:$0x3FB3] =	sst s6  }
0xf: {  	[smem:$0x3FB4] =	sst s7  }
0x10: {  	[smem:$0x3FB5] =	sst s8  }
0x11: {  	[smem:$0x3FB6] =	sst s9;
	s0 =	simm.s32 @!p0 $0x0  }
0x12: {  	s1 =	sld [smem:$0x3F9C];
	s0 =	simm.s32 @p0 $0x1  }
0x13: {  	[smem:$0x3FB7] =	sst s0;
	s0 =	simm.s32 @!p1 $0x0  }
0x14: {  	s2 =	sld [smem:$0x3F9B];
	s0 =	simm.s32 @p1 $0x1  }
0x15: {  	[smem:$0x3FB8] =	sst s0;
	s0 =	simm.s32 @!p2 $0x0  }
0x16: {  	s3 =	sld [smem:$0x3FDB];
	s0 =	simm.s32 @p2 $0x1  }
0x17: {  	s4 =	simm.s32 $0x1BF5;
	[smem:$0x3FBA] =	sst s0  }
0x18: {  	s0 =	sld [smem:$0x3F9D];
	_ =	swait.ge [sflag:s4], $0x0  }
0x19: {  	s7 =	sld [smem:$0x3F9E]  }
0x1a: {  	s8 =	sadd.s32 $0xFFFFE003, lr  }
0x1b: {  	s9 =	sadd.s32 $0xFFFFFEF7, lr;
	s5 =	simm.s32 $0xFFFFFFFF;
	p2 =	slt.u32 s8, $0xFFFFF086  }
0x1c: {  	p1 =	slt.u32 s9, $0xF7A;
	s5 =	simm.s32 @!p2 $0x0  }
0x1d: {  	s5 =	simm.s32 @p1 $0x1;
	p0 =	seq.s32 s7, s2  }
0x1e: {  	s7 =	smul.u32 @!p0 $0xF7A, s2;
	p2 =	seq.s32 @!p0 s5, $0x0  }
0x1f: {  	s9 =	smul.u32 $0xF7A, s1;
	s8 =	simm.s32 @!p0 $0x1BF5;
	p2 =	por !p2, p0  }
0x20: {  	[sflag:s8] =	ssyncset.s32 @!p0 $0xFFFFF086;
	s6 =	sadd.s32 @!p0 s3, s7;
	s7 =	simm.s32 @!p0 $0x108  }
0x21: {  	s3 =	sadd.s32 s3, s9;
	s6 =	sadd.s32 @!p0 $0x88, s6;
	s7 =	simm.s32 @p2 $0x1082  }
0x22: {  	[simem:s7], [sflag:s8] =	dma.local @!p0 [hbm:s6], $0xF7A  }
0x23: {  	s9 =	sor.u32 $0xD0000000, s2;
	s6 =	simm.s32 $0x108;
	_ =	swait.ge @!p0 [sflag:s8], $0x0  }
0x24: {  	s3 =	sadd.s32 $0x88, s3;
	s6 =	simm.s32 @!p1 $0x1082;
	[sflag:s4] =	ssyncset.s32 $0xFFFFF086  }
0x25: {  	[simem:s6], [sflag:s4] =	dma.local [hbm:s3], $0xF7A  }
0x26: {  	[smem:$0x3F9E] =	sst s1;
	(tag) =	ssettag s2;
	_ =	strace s9  }
0x27: {  	s1 =	sld [smem:$0x3FAE]  }
0x28: {  	s2 =	sld [smem:$0x3FAF]  }
0x29: {  	s4 =	sld [smem:$0x3FB1]  }
0x2a: {  	p0 =	seq.s32 s5, $0x0;
	s5 =	sld [smem:$0x3FB2]  }
0x2b: {  	s6 =	sld [smem:$0x3FB3]  }
0x2c: {  	s7 =	sld [smem:$0x3FB4]  }
0x2d: {  	s3 =	simm.s32 $0x108;
	s8 =	sld [smem:$0x3FB5]  }
0x2e: {  	s3 =	simm.s32 @!p0 $0x1082;
	s9 =	sld [smem:$0x3FB6]  }
0x2f: {  	lr =	sadd.s32 s0, s3;
	s0 =	sld [smem:$0x3FAD]  }
0x30: {  	s3 =	sld [smem:$0x3FB0]  }
0x31: {  	[smem:$0x3FB9] =	sst s10  }
0x32: {  	s10 =	sld [smem:$0x3FB7];
	_ =	sdelay $0x3  }
0x33: {  	p0 =	seq.s32 s10, $0x1;
	s10 =	sld [smem:$0x3FB9];
	_ =	sdelay $0x3  }
0x34: {  	[smem:$0x3FB9] =	sst s10  }
0x35: {  	s10 =	sld [smem:$0x3FB8];
	_ =	sdelay $0x3  }
0x36: {  	p1 =	seq.s32 s10, $0x1;
	s10 =	sld [smem:$0x3FB9];
	_ =	sdelay $0x3  }
0x37: {  	[smem:$0x3FB9] =	sst s10  }
0x38: {  	s10 =	sld [smem:$0x3FBA]  }
0x39: {  	_ = 	snop;
	(pc) =	sbr.ind lr, $3  }
0x3a: {  	_ = 	snop  }
0x3b: {  	_ = 	snop  }
0x3c: {  	p2 =	seq.s32 s10, $0x1;
	s10 =	sld [smem:$0x3FB9]  }
0x3d: {  	_ =	shalt  }
0x3e: {  	_ =	shalt  }
0x3f: {  	_ =	shalt  }
0x40: {  	_ =	shalt  }
0x41: {  	_ =	shalt  }
0x42: {  	_ =	shalt  }
0x43: {  	_ =	shalt  }
0x44: {  	_ =	shalt  }
0x45: {  	_ =	shalt  }
0x46: {  	_ =	shalt  }
0x47: {  	_ =	shalt  }
0x48: {  	_ =	shalt  }
0x49: {  	_ =	shalt  }
0x4a: {  	_ =	shalt  }
0x4b: {  	_ =	shalt  }
0x4c: {  	_ =	shalt  }
0x4d: {  	_ =	shalt  }
0x4e: {  	_ =	shalt  }
0x4f: {  	_ =	shalt  }
0x50: {  	_ =	shalt  }
0x51: {  	_ =	shalt  }
0x52: {  	_ =	shalt  }
0x53: {  	_ =	shalt  }
0x54: {  	_ =	shalt  }
0x55: {  	_ =	shalt  }
0x56: {  	_ =	shalt  }
0x57: {  	_ =	shalt  }
0x58: {  	_ =	shalt  }
0x59: {  	_ =	shalt  }
0x5a: {  	_ =	shalt  }
0x5b: {  	_ =	shalt  }
0x5c: {  	_ =	shalt  }
0x5d: {  	_ =	shalt  }
0x5e: {  	_ =	shalt  }
0x5f: {  	_ =	shalt  }
0x60: {  	_ =	shalt  }
0x61: {  	_ =	shalt  }
0x62: {  	_ =	shalt  }
0x63: {  	_ =	shalt  }
0x64: {  	_ =	shalt  }
0x65: {  	_ =	shalt  }
0x66: {  	_ =	shalt  }
0x67: {  	_ =	shalt  }
0x68: {  	_ =	shalt  }
0x69: {  	_ =	shalt  }
0x6a: {  	_ =	shalt  }
0x6b: {  	_ =	shalt  }
0x6c: {  	_ =	shalt  }
0x6d: {  	_ =	shalt  }
0x6e: {  	_ =	shalt  }
0x6f: {  	_ =	shalt  }
0x70: {  	_ =	shalt  }
0x71: {  	_ =	shalt  }
0x72: {  	_ =	shalt  }
0x73: {  	_ =	shalt  }
0x74: {  	_ =	shalt  }
0x75: {  	_ =	shalt  }
0x76: {  	_ =	shalt  }
0x77: {  	_ =	shalt  }
0x78: {  	_ =	shalt  }
0x79: {  	_ =	shalt  }
0x7a: {  	_ =	shalt  }
0x7b: {  	_ =	shalt  }
0x7c: {  	_ =	shalt  }
0x7d: {  	_ =	shalt  }
0x7e: {  	_ =	shalt  }
0x7f: {  	_ =	shalt  }
0x80: {  	_ =	shalt  }
0x81: {  	_ =	shalt  }
0x82: {  	_ =	shalt  }
0x83: {  	_ =	shalt  }
0x84: {  	_ =	shalt  }
0x85: {  	_ =	shalt  }
0x86: {  	_ =	shalt  }
0x87: {  	_ =	shalt  }
.Lfunc_end0:
.L_simem_size_0:
called_computation_lowered:
.L_overlay_start_0:
0x88: {  	s2 =	sld [smem:$0x3FD9]  }
0x89: {  	s3 =	sld [smem:$0x3FFE];
	_ =	sdelay $0x1  }
0x8a: {  	s1 =	srdreg.scid  }
0x8b: {  	s0 =	sand.u32 $0x1, s1  }
0x8c: {  	s17 =	sshll.u32 s0, $0xA;
	s2 =	sadd.s32 s3, s2  }
0x8d: {  	s2 =	sadd.s32 s2, s17  }
0x8e: {  	[smem:$0x3FC5] =	sst s2  }
0x8f: {  	_ = 	snop  }
0x90: {  	s2 =	sld [smem:$0x3FC7]  }
0x91: {  	s18 =	sld [smem:$0x3FD0];
	(tm) =	ssettm $0x1  }
0x92: {  	s4 =	sld [smem:$0x3FFB];
	_ =	sdelay $0x3  }
0x93: {  	_ =	strace s4  }
0x94: {  	s4 =	sld [smem:$0x3FFC];
	_ =	sdelay $0x3  }
0x95: {  	_ =	strace s4  }
0x96: {  	s4 =	sld [smem:$0x3FFD];
	_ =	sdelay $0x3  }
0x97: {  	_ =	strace s4  }
0x98: {  	_ =	strace $0x8FFFFFFF  }
0x99: {  	s19 =	sld [smem:$0x3FDB];
	_ =	sdelay $0x1  }
0x9a: {  	s5 =	simm.s32 $_scs_section_size  }
0x9b: {  	s6 =	simm.s32 $_size__tile_overlayer_lowered;
	s7 =	simm.s32 $_tile_overlayer_lowered  }
0x9c: {  	s22 =	simm.s32 $0x1BFF;
	s21 =	sshll.u32 s7, $0x1;
	s4 =	sadd.s32 s5, s19  }
0x9d: {  	s8 =	simm.s32 $0x0;
	s20 =	sshll.u32 s6, $0x1;
	s6 =	sadd.s32 s21, s4  }
0x9e: {  	[timem:s8], [sflag:s22] =	dma.local [hbm:s6], s20  }
0x9f: {  	_ =	swait.ge [sflag:s22], s20  }
0xa0: {  	s5 =	ssub.s32 $0x0, s20;
	[sflag:s22] =	ssyncset.done $0x0  }
0xa1: {  	[sflag:s22] =	ssyncadd.s32 s5;
	_ =	sdelay $0x1  }
0xa2: {  	s23 =	simm.s32 $0x1B8B  }
0xa3: {  	_ =	swait.ge [sflag:s23], $0x1  }
0xa4: {  	[sflag:s23] =	ssyncset.done $0x0  }
0xa5: {  	s25 =	simm.s32 $0x1B8E;
	s24 =	sld [smem:$0x3FFE];
	[sflag:s23] =	ssyncadd.s32 $0xFFFFFFFF  }
0xa6: {  	s26 =	simm.s32 $execute0_lowered;
	[smem:$0x3FD2] =	sst s25  }
0xa7: {  	s6 =	sshll.u32 s26, $0x1;
	_ =	strace $0x80000046;
	[dreg:$0x1] =	wrdreg $0xFFFFFFFF  }
0xa8: {  	s28 =	simm.s32 $_size_execute0_lowered;
	s4 =	sadd.s32 s4, s6;
	[dreg:$0x0] =	wrdreg $0x0  }
0xa9: {  	s6 =	sshll.u32 s28, $0x1;
	[dreg:$0x2] =	wrdreg s4  }
0xaa: {  	[dreg:$0x3] =	wrdreg s6  }
0xab: {  	[dreg:$0x4] =	wrdreg $0xC0  }
0xac: {  	_ =	task [dreg:s8], $0x5FFFF  }
0xad: {  	[dreg:$0x1] =	wrdreg $0xFFFFFFFF  }
0xae: {  	[dreg:$0x0] =	wrdreg $0x60  }
0xaf: {  	[dreg:$0x2] =	wrdreg s24  }
0xb0: {  	[dreg:$0x3] =	wrdreg s2  }
0xb1: {  	[dreg:$0x4] =	wrdreg s18  }
0xb2: {  	[dreg:$0x5] =	wrdreg $0x9  }
0xb3: {  	_ =	task.clear_ibuf [dreg:s8], $0x6FFFF;
	_ =	strace $0x90000046  }
0xb4: {  	s29 =	simm.s32 $0x9;
	_ =	strace $0x80000048  }
0xb5: {  	_ =	swait.ge [sflag:s29], $0x1  }
0xb6: {  	[sflag:s29] =	ssyncadd.s32 $0xFFFFFFFF  }
0xb7: {  	_ =	strace $0x90000048  }
0xb8: {  	_ =	sfence  }
0xb9: {  	s30 =	sld [smem:$0x0];
	_ =	sdelay $0x2  }
0xba: {  	s31 =	sshll.u32 s1, $0xD;
	s1 =	sshrl.u32 s1, $0x2  }
0xbb: {  	s3 =	sand.u32 $0x4000, s31;
	s1 =	sadd.s32 s1, s30  }
0xbc: {  	s0 =	sor.u32 s3, s0;
	s1 =	sshll.u32 s1, $0x11  }
0xbd: {  	s0 =	sor.u32 s1, s0  }
0xbe: {  	s0 =	sadd.s32 $0x8F2B, s0  }
0xbf: {  	[sflag:s0] =	ssyncadd.remote.s32 $0x1  }
0xc0: {  	_ =	sfence.sel $0xFFFF  }
0xc1: {  	[dreg:$0x0] =	wrdreg $0xFFFFFFFF;
	(pc) =	sbr.abs _section_cstart, $3  }
0xc2: {  	[dreg:$0x1] =	wrdreg $0xFFFFFFFF  }
0xc3: {  	_ =	task.clear_ibuf [dreg:s8], $0x2FFFF;
	_ =	strace $0x9FFFFFFF  }
0xc4: {  	(tm) =	ssettm $0x7FFFFFFF  }
0xc5: {  	_ =	shalt  }
tec
execute0_lowered:
.L_overlay_start_1:
0x0: {  	(tag) =	ssettag $0x1  }
0x1: {  	s0 =	rddreg [dreg:$0x0]  }
0x2: {  	s9 =	rddreg [dreg:$0x2];
	s2 =	simm.s32 $0x0;
	s3 =	srdreg.scid  }
0x3: {  	s1 =	stileid.u32;
	s15 =	simm.s32 $0x1;
	s16 =	simm.s32 $0x6600  }
0x4: {  	s17 =	simm.s32 $0x2;
	s18 =	simm.s32 $0x6800;
	s19 =	simm.s32 $0x6700  }
0x5: {  	s20 =	simm.s32 $0x3;
	s21 =	simm.s32 $0xCC00;
	s22 =	simm.s32 $0x4  }
0x6: {  	s23 =	simm.s32 $0x8;
	s24 =	simm.s32 $0x13000;
	s28 =	simm.s32 $0x6  }
0x7: {  	s29 =	simm.s32 $0x7;
	s30 =	simm.s32 $0x0;
	[smem:$0x7FF] =	sst s2  }
0x8: {  	s10 =	sand.u32 $0x1, s3;
	s0 =	sadd.s32 $0x400, s0;
	s6 =	sshll.u32 s1, $0xD  }
0x9: {  	s25 =	sshll.u32 s1, $0x10;
	s26 =	smul.u32 $0xC8000, s1;
	_ =	strace $0x80000047  }
0xa: {  	s4 =	ssub.s32 $0x2, s10;
	s7 =	sshll.u32 s10, $0xC;
	s8 =	sshll.u32 s10, $0xF  }
0xb: {  	s10 =	smul.u32 $0x64000, s10;
	s5 =	sshrl.u32 s4, $0x1;
	s6 =	sor.u32 s7, s6  }
0xc: {  	s12 =	sor.u32 s8, s25;
	s9 =	sadd.s32 s26, s9;
	s25 =	simm.s32 $0x19400  }
0xd: {  	s26 =	simm.s32 $0x5;
	s11 =	ssub.s32 s4, s5;
	s4 =	sadd.s32 s0, s6  }
0xe: {  	s7 =	sor.u32 $0x500, s12;
	s8 =	sor.u32 $0x400, s12;
	s13 =	sor.u32 $0x300, s12  }
.Ltmp0:
0xf: {  	s12 =	sor.u32 $0x200, s12;
	s9 =	sadd.s32 s10, s9;
	(pc) =	sbr.rel .LBB2_1-.Ltmp0, $4  }
0x10: {  	s5 =	sadd.s32 $0x20, s4;
	s6 =	smax.u32 s11, $0x1;
	s7 =	sshrl.u32 s7, $0x3  }
0x11: {  	s8 =	sshrl.u32 s8, $0x3;
	s31 =	sshrl.u32 s13, $0x3;
	s12 =	sshrl.u32 s12, $0x3  }
0x12: {  	s13 =	simm.s32 $0x6400;
	s7 =	sadd.s32 s7, s0;
	s8 =	sadd.s32 s8, s0  }
0x13: {  	s10 =	sadd.s32 s31, s0;
	s11 =	sadd.s32 s12, s0;
	s12 =	simm.s32 $0x9  }
.LBB2_7:
0x14: {  	_ =	swait.ge [sflag:s26], $0x6400  }
0x15: {  	[sflag:s26] =	ssyncset.done $0x0  }
0x16: {  	[sflag:s26] =	ssyncadd.s32 $0xFFFF9C00  }
0x17: {  	_ =	swait.ge [sflag:s28], $0x6400  }
0x18: {  	[sflag:s28] =	ssyncset.done $0x0  }
0x19: {  	s30 =	sadd.s32 $0x1, s30;
	[sflag:s28] =	ssyncadd.s32 $0xFFFF9C00  }
0x1a: {  	p0 =	sne.s32 s30, s6;
	_ =	swait.ge [sflag:s29], $0x6400  }
.Ltmp1:
0x1b: {  	[sflag:s29] =	ssyncset.done $0x0;
	(pc) =	sbr.rel @!p0 .LBB2_8-.Ltmp1, $4  }
0x1c: {  	[sflag:s29] =	ssyncadd.s32 $0xFFFF9C00  }
0x1d: {  	_ =	swait.ge [sflag:s23], $0x6400  }
0x1e: {  	[sflag:s23] =	ssyncset.done $0x0  }
0x1f: {  	[sflag:s23] =	ssyncadd.s32 $0xFFFF9C00  }
.LBB2_1:
0x20: {  	s0 =	rddreg [dreg:$0x1]  }
0x21: {  	[tilespmem:s2], [sflag:$0x9] =	stream.linear.gather [hbm4b:s0+s2], $0x6400, $0x38;
	[tilespmem:$0x1F800] =	vst v63  }
0x22: {  	_ =	swait.ge [sflag:s12], $0x6400  }
0x23: {  	[sflag:s12] =	ssyncset.done $0x0  }
0x24: {  	[sflag:s12] =	ssyncadd.s32 $0xFFFF9C00  }
0x25: {  	[tilespmem:s13], [sflag:$0x1] =	stream.linear.gather [hbm4b:s4+s2], $0x100, $0x38;
	[tilespmem:$0x1F800] =	vst v63  }
.Ltmp2:
0x26: {  	s14 =	simm.s32 $0x6500;
	(pc) =	sbr.rel .LBB2_2-.Ltmp2, $4  }
0x27: {  	[tilespmem:s14], [sflag:$0x2] =	stream.linear.gather [hbm4b:s5+s2], $0x100, $0x38;
	[tilespmem:$0x1F800] =	vst v63  }
0x28: {  	_ =	swait.ge [sflag:s15], $0x100  }
0x29: {  	[sflag:s15] =	ssyncset.done $0x0  }
0x2a: {  	s31 =	smov.u32 s9;
	s0 =	simm.s32 $0x0;
	[sflag:s15] =	ssyncadd.s32 $0xFFFFFF00  }
.LBB2_3:
0x2b: {  	_ =	swait.ge [sflag:s22], $0x100  }
0x2c: {  	[sflag:s22] =	ssyncset.done $0x0  }
0x2d: {  	[sflag:s22] =	ssyncadd.s32 $0xFFFFFF00  }
.LBB2_5:
0x2e: {  	_ =	swait.ge [sflag:s23], $0x6400  }
0x2f: {  	[sflag:s23] =	ssyncset.done $0x0  }
0x30: {  	[sflag:s23] =	ssyncadd.s32 $0xFFFF9C00  }
.LBB2_6:
0x31: {  	p0 =	seq.s32 s0, $0xF80;
	s3 =	sadd.s32 $0x1900, s31  }
0x32: {  	[hbm4b:s3+s2] =	stream.linear.scatter [tilespmem:s24], [sflag:$0x7], $0x6400, $0x38;
	[tilespmem:$0x1F800] =	vst v63  }
0x33: {  	s3 =	sadd.s32 @!p0 s0, s7;
	s1 =	simm.s32 @!p0 $0x0;
	s14 =	simm.s32 @!p0 $0x6500  }
0x34: {  	[tilespmem:s14], [sflag:$0x2] =	stream.linear.gather @!p0 [hbm4b:s3+s1], $0x100, $0x38;
	[tilespmem:$0x1F800] =	vst v63  }
0x35: {  	s1 =	simm.s32 @!p0 $0x1  }
0x36: {  	_ =	swait.ge @!p0 [sflag:s1], $0x100  }
0x37: {  	[sflag:s1] =	ssyncset.done @!p0 $0x0  }
0x38: {  	[sflag:s1] =	ssyncadd.s32 @!p0 $0xFFFFFF00;
	s1 =	simm.s32 @!p0 $0x5  }
0x39: {  	_ =	swait.ge @!p0 [sflag:s1], $0x6400  }
0x3a: {  	s0 =	sadd.s32 $0x80, s0;
	[sflag:s1] =	ssyncset.done @!p0 $0x0  }
0x3b: {  	[sflag:s1] =	ssyncadd.s32 @!p0 $0xFFFF9C00;
	p0 =	sne.s32 s0, $0x1000  }
.Ltmp3:
0x3c: {  	_ = 	snop;
	(pc) =	sbr.rel @!p0 .LBB2_7-.Ltmp3, $3  }
0x3d: {  	_ =	sdelay $0x1  }
0x3e: {  	s14 =	sadd.s32 $0x2580, s31;
	s31 =	sadd.s32 $0x3200, s31  }
0x3f: {  	[hbm4b:s14+s2] =	stream.linear.scatter [tilespmem:s25], [sflag:$0x8], $0x6400, $0x38;
	[tilespmem:$0x1F800] =	vst v63  }
.LBB2_2:
0x40: {  	s3 =	sadd.s32 s0, s11  }
0x41: {  	[tilespmem:s16], [sflag:$0x3] =	stream.linear.gather [hbm4b:s3+s2], $0x100, $0x38;
	[tilespmem:$0x1F800] =	vst v63  }
0x42: {  	_ =	swait.ge [sflag:s17], $0x100  }
0x43: {  	p0 =	seq.s32 s0, $0x0;
	[sflag:s17] =	ssyncset.done $0x0  }
0x44: {  	s3 =	simm.s32 @!p0 $0x6;
	[sflag:s17] =	ssyncadd.s32 $0xFFFFFF00  }
0x45: {  	_ =	swait.ge @!p0 [sflag:s3], $0x6400  }
0x46: {  	[sflag:s3] =	ssyncset.done @!p0 $0x0  }
0x47: {  	[sflag:s3] =	ssyncadd.s32 @!p0 $0xFFFF9C00  }
0x48: {  	[hbm4b:s31+s2] =	stream.linear.scatter [tilespmem:s18], [sflag:$0x5], $0x6400, $0x38;
	[tilespmem:$0x1F800] =	vst v63  }
0x49: {  	s1 =	sadd.s32 s0, s10  }
0x4a: {  	[tilespmem:s19], [sflag:$0x4] =	stream.linear.gather [hbm4b:s1+s2], $0x100, $0x38;
	[tilespmem:$0x1F800] =	vst v63  }
0x4b: {  	_ =	swait.ge [sflag:s20], $0x100  }
0x4c: {  	p1 =	sne.s32 s0, $0xF80;
	[sflag:s20] =	ssyncset.done $0x0  }
.Ltmp4:
0x4d: {  	s3 =	simm.s32 @!p0 $0x7;
	[sflag:s20] =	ssyncadd.s32 $0xFFFFFF00;
	(pc) =	sbr.rel @!p1 .LBB2_3-.Ltmp4, $4  }
0x4e: {  	_ =	swait.ge @!p0 [sflag:s3], $0x6400  }
0x4f: {  	[sflag:s3] =	ssyncset.done @!p0 $0x0  }
0x50: {  	s14 =	sadd.s32 $0xC80, s31;
	[sflag:s3] =	ssyncadd.s32 @!p0 $0xFFFF9C00  }
0x51: {  	[hbm4b:s14+s2] =	stream.linear.scatter [tilespmem:s21], [sflag:$0x6], $0x6400, $0x38;
	[tilespmem:$0x1F800] =	vst v63  }
0x52: {  	s3 =	sadd.s32 s0, s8  }
0x53: {  	[tilespmem:s13], [sflag:$0x1] =	stream.linear.gather [hbm4b:s3+s2], $0x100, $0x38;
	[tilespmem:$0x1F800] =	vst v63  }
.Ltmp5:
0x54: {  	_ = 	snop;
	(pc) =	sbr.rel @!p0 .LBB2_5-.Ltmp5, $4  }
.Ltmp6:
0x55: {  	_ = 	snop;
	(pc) =	sbr.rel @p0 .LBB2_6-.Ltmp6, $4  }
0x56: {  	_ =	swait.ge [sflag:s22], $0x100  }
0x57: {  	[sflag:s22] =	ssyncset.done $0x0  }
0x58: {  	[sflag:s22] =	ssyncadd.s32 $0xFFFFFF00  }
0x59: {  	_ = 	snop  }
.LBB2_8:
0x5a: {  	_ =	sfence.sel $0x180000  }
0x5b: {  	[bflag:$0x0] =	sbarrier.arrive $0xFFFF  }
0x5c: {  	_ =	strace $0x90000047  }
0x5d: {  	s0 =	stileid.u32;
	[bflag:$0x2] =	sbarrier.arrive $0xFFFF  }
0x5e: {  	p0 =	sne.s32 s0, $0x0;
	s0 =	rddreg [dreg:$0x3]  }
0x5f: {  	s0 =	sadd.s32 @!p0 $0x100000, s0  }
0x60: {  	[sflag:s0] =	ssyncadd.tile.s32 @!p0 $0x1;
	_ =	shalt  }
.Lfunc_end2:
_tile_overlayer_lowered:
.L_overlay_start_2:
0x61: {  	(tag) =	ssettag $0x2  }
0x62: {  	s0 =	rddreg [dreg:$0x0];
	s2 =	stileid.u32  }
0x63: {  	s1 =	rddreg [dreg:$0x1];
	p0 =	sne.s32 s2, $0x0  }
0x64: {  	s3 =	rddreg [dreg:$0x2];
	[bflag:$0x3] =	sbarrier.arrive $0xFFFF;
	s2 =	simm.s32 @!p0 $0x1C09  }
0x65: {  	[timem:s3], [sflag:s2] =	dma.local @!p0 [hbm:s0], s1  }
0x66: {  	s0 =	simm.s32 @!p0 $0x9  }
0x67: {  	_ =	swait.ge @!p0 [sflag:s0], s1  }
0x68: {  	s1 =	ssub.s32 @!p0 $0x0, s1;
	[sflag:s0] =	ssyncset.done @!p0 $0x0  }
0x69: {  	[sflag:s0] =	ssyncadd.s32 @!p0 s1  }
0x6a: {  	[bflag:$0x3] =	sbarrier.arrive $0xFFFF  }
0x6b: {  	_ =	shalt  }

</sc_bundles>
